<compile_context>
chip_gen: v7x
topology: tpu7x:2x2x1
jax: 0.10.2.dev20260603
libtpu: 0.0.44.dev20260713+nightly
codegen_flags: <defaults>
</compile_context>

<pallas_src>
import functools

import jax
import jax.numpy as jnp
from jax import lax
from jax.experimental import pallas as pl
from jax.experimental.pallas import tpu as pltpu
from jax.experimental.pallas import tpu_sc as plsc

N_NODES = 10000
N_EDGES = 320000
DIM = 128

NC = 2
NS = 16
CH = 128
NCHUNK = N_EDGES // CH
K0 = 95
C0 = NS * K0
K1B = (NCHUNK - C0) // NS
K1X = NCHUNK - C0 - NS * K1B
ZR = -(-(N_NODES + 1) // (NS * 8)) * 8
A_ROWS = ZR * NS


def _sc_segment_sum(x, src, dst, zrows):
    mesh = plsc.VectorSubcoreMesh(core_axis_name="c", subcore_axis_name="s")

    @functools.partial(
        pl.kernel,
        mesh=mesh,
        out_type=jax.ShapeDtypeStruct((NC, A_ROWS, DIM), jnp.float32),
        scratch_types=[
            pltpu.VMEM((K0 * CH,), jnp.int32),
            pltpu.VMEM((K0 * CH,), jnp.int32),
            pltpu.VMEM((CH, DIM), jnp.float32),
            pltpu.VMEM_SHARED((A_ROWS, DIM), jnp.float32),
        ],
    )
    def body(x_hbm, src_hbm, dst_hbm, z_hbm, out_hbm, src_v, dst_v, rows_v, acc):
        c = lax.axis_index("c")
        s = lax.axis_index("s")

        pltpu.sync_copy(z_hbm, acc.at[pl.ds(s * ZR, ZR)])
        @pl.when(c == 0)
        def _():
            st0 = s * (K0 * CH)
            pltpu.sync_copy(src_hbm.at[pl.ds(st0, K0 * CH)], src_v)
            pltpu.sync_copy(dst_hbm.at[pl.ds(st0, K0 * CH)], dst_v)

        @pl.when(c != 0)
        def _():
            st1 = (C0 + s * K1B + jnp.minimum(s, K1X)) * CH
            pltpu.sync_copy(src_hbm.at[pl.ds(st1, K1B * CH)],
                            src_v.at[pl.ds(0, K1B * CH)])
            pltpu.sync_copy(dst_hbm.at[pl.ds(st1, K1B * CH)],
                            dst_v.at[pl.ds(0, K1B * CH)])

            @pl.when(s < K1X)
            def _():
                pltpu.sync_copy(src_hbm.at[pl.ds(st1 + K1B * CH, CH)],
                                src_v.at[pl.ds(K1B * CH, CH)])
                pltpu.sync_copy(dst_hbm.at[pl.ds(st1 + K1B * CH, CH)],
                                dst_v.at[pl.ds(K1B * CH, CH)])

        plsc.subcore_barrier()

        def step(j, _):
            pltpu.sync_copy(x_hbm.at[src_v.at[pl.ds(j * CH, CH)]], rows_v)
            pltpu.sync_copy(rows_v, acc.at[dst_v.at[pl.ds(j * CH, CH)]],
                            add=True)
            return _

        kc = jnp.where(c == 0, K0, K1B + jnp.where(s < K1X, 1, 0))
        lax.fori_loop(0, kc, step, None)
        plsc.subcore_barrier()
        pltpu.sync_copy(acc.at[pl.ds(s * ZR, ZR)],
                        out_hbm.at[c, pl.ds(s * ZR, ZR)])

    return body(x, src, dst, zrows)


def _tc_finish(x, a, w1t, w2t):
    R = 1000

    def body(x_ref, a0_ref, a1_ref, w1t_ref, w2t_ref, o_ref):
        sp = jnp.dot(x_ref[...], w1t_ref[...],
                     preferred_element_type=jnp.float32,
                     precision=lax.Precision.HIGHEST)
        np_ = jnp.dot(a0_ref[0] + a1_ref[0], w2t_ref[...],
                      preferred_element_type=jnp.float32,
                      precision=lax.Precision.HIGHEST)
        o_ref[...] = jnp.maximum(sp + np_, 0.0)

    return pl.pallas_call(
        body,
        grid=(N_NODES // R,),
        in_specs=[
            pl.BlockSpec((R, DIM), lambda i: (i, 0)),
            pl.BlockSpec((1, R, DIM), lambda i: (0, i, 0)),
            pl.BlockSpec((1, R, DIM), lambda i: (1, i, 0)),
            pl.BlockSpec((DIM, DIM), lambda i: (0, 0)),
            pl.BlockSpec((DIM, DIM), lambda i: (0, 0)),
        ],
        out_specs=pl.BlockSpec((R, DIM), lambda i: (i, 0)),
        out_shape=jax.ShapeDtypeStruct((N_NODES, DIM), jnp.float32),
    )(x, a, a, w1t, w2t)


def kernel(x, edge_index, W1, W2):
    src_p = edge_index[0].astype(jnp.int32)
    dst_p = edge_index[1].astype(jnp.int32)
    zrows = jnp.zeros((ZR, DIM), jnp.float32)
    a = _sc_segment_sum(x, src_p, dst_p, zrows)
    return _tc_finish(x, a, W1.T, W2.T)

# --- scband reference (transcript-rebuilt; emitter-appended) ---
"""Pipeline reference for scband-kset-layer-10797547782336 (READ-ONLY COPY).

The authoritative reference and input builder live on the scoring server;
editing this copy changes nothing except your own understanding.
"""

import jax, jax.numpy as jnp
import numpy as np

def setup_inputs(seed: int = 0) -> dict:
    key = jax.random.key(seed)
    k1, k2, k3, k4 = jax.random.split(key, 4)
    n_nodes = 10000
    n_edges = 320000
    in_dim = 128
    out_dim = 128
    x = jax.random.normal(k1, (n_nodes, in_dim), dtype=jnp.float32)
    edge_index = jax.random.randint(k2, (2, n_edges), 0, n_nodes, dtype=jnp.int64)
    # Linear weights stored as [out_dim, in_dim] like torch nn.Linear
    bound = 1.0 / np.sqrt(in_dim)
    W1 = jax.random.uniform(k3, (out_dim, in_dim), dtype=jnp.float32, minval=-bound, maxval=bound)
    W2 = jax.random.uniform(k4, (out_dim, in_dim), dtype=jnp.float32, minval=-bound, maxval=bound)
    return {"x": x, "edge_index": edge_index, "W1": W1, "W2": W2}

def reference(x, edge_index, W1, W2):
    # self part: f(s) W1
    self_part = x @ W1.T
    # gather source features, transform with W2
    src = jnp.take(x, edge_index[0], axis=0)
    source_feats = src @ W2.T
    # scatter-add into destination nodes
    neighbor_part = jnp.zeros_like(self_part).at[edge_index[1]].add(source_feats)
    return jax.nn.relu(self_part + neighbor_part)

if __name__ == "__main__":
    import jax
    _d = setup_inputs()
    print(jax.jit(kernel)(*tuple(_d.values())))

</pallas_src>

<mosaic_0001>
#map = affine_map<(d0, d1) -> (0, 0)>
#map1 = affine_map<(d0, d1) -> (0)>
#map2 = affine_map<(d0, d1) -> (0, 0, 0)>
module attributes {stable_mosaic.version = 14 : i64} {
  func.func @body(%arg0: i32, %arg1: i32, %arg2: memref<10000x128xf32, #tpu.memory_space<hbm>>, %arg3: memref<320000xi32, #tpu.memory_space<hbm>>, %arg4: memref<320000xi32, #tpu.memory_space<hbm>>, %arg5: memref<632x128xf32, #tpu.memory_space<hbm>>, %arg6: memref<2x10112x128xf32, #tpu.memory_space<hbm>>, %arg7: memref<12160xi32, #tpu.memory_space<vmem>>, %arg8: memref<12160xi32, #tpu.memory_space<vmem>>, %arg9: memref<128x128xf32, #tpu.memory_space<vmem>>, %arg10: memref<10112x128xf32, #tpu.memory_space<vmem_shared>>) attributes {dimension_semantics = [#tpu.dimension_semantics<core_parallel>, #tpu.dimension_semantics<subcore_parallel>], iteration_bounds = array<i64: 2, 16>, scalar_prefetch = 0 : i64, scratch_operands = 4 : i64, tpu.core_type = #tpu.core_type<sc_vector_subcore>, window_params = [{transform_indices = #map}, {transform_indices = #map1}, {transform_indices = #map1}, {transform_indices = #map}, {transform_indices = #map2}]} {
    %mul3A = arith.constant 632 : i32
    %mul3A_0 = arith.muli %arg1, %mul3A : i32
    "tpu.region"() ({
      %run_scoped3A = tpu.sem_alloc : memref<!tpu.dma_semaphore, #tpu.memory_space<semaphore_mem>>
      %dma_start3A = arith.constant 0 : i32
      %dma_start3A_27 = tpu.memref_slice %arg10[%mul3A_0, %dma_start3A] : memref<10112x128xf32, #tpu.memory_space<vmem_shared>> -> memref<632x128xf32, #tpu.memory_space<vmem_shared>>
      tpu.enqueue_dma source(%arg5 : memref<632x128xf32, #tpu.memory_space<hbm>>) target(%dma_start3A_27 : memref<632x128xf32, #tpu.memory_space<vmem_shared>>) target_semaphore(%run_scoped3A : memref<!tpu.dma_semaphore, #tpu.memory_space<semaphore_mem>>)
      %dma_wait3A = arith.constant 0 : i32
      %dma_wait3A_28 = tpu.memref_slice %arg10[%mul3A_0, %dma_wait3A] : memref<10112x128xf32, #tpu.memory_space<vmem_shared>> -> memref<632x128xf32, #tpu.memory_space<vmem_shared>>
      tpu.wait_dma2 semaphore(%run_scoped3A : memref<!tpu.dma_semaphore, #tpu.memory_space<semaphore_mem>>) src(%arg5 : memref<632x128xf32, #tpu.memory_space<hbm>>) dst(%dma_wait3A_28 : memref<632x128xf32, #tpu.memory_space<vmem_shared>>)
      tpu.yield
    }) : () -> ()
    %eq3A = arith.constant 0 : i32
    %eq3A_1 = arith.cmpi eq, %arg0, %eq3A : i32
    %convert_element_type3A = arith.extui %eq3A_1 : i1 to i32
    %cond3A = arith.constant 0 : i32
    %cond3A_2 = arith.cmpi ne, %convert_element_type3A, %cond3A : i32
    scf.if %cond3A_2 {
      %mul3A_27 = arith.constant 12160 : i32
      %mul3A_28 = arith.muli %arg1, %mul3A_27 : i32
      "tpu.region"() ({
        %run_scoped3A = tpu.sem_alloc : memref<!tpu.dma_semaphore, #tpu.memory_space<semaphore_mem>>
        %dma_start3A = tpu.memref_slice %arg3[%mul3A_28] : memref<320000xi32, #tpu.memory_space<hbm>> -> memref<12160xi32, #tpu.memory_space<hbm>>
        %dma_start3A_29 = tpu.memref_slice %arg3[%mul3A_28] : memref<320000xi32, #tpu.memory_space<hbm>> -> memref<12160xi32, #tpu.memory_space<hbm>>
        tpu.enqueue_dma source(%dma_start3A_29 : memref<12160xi32, #tpu.memory_space<hbm>>) target(%arg7 : memref<12160xi32, #tpu.memory_space<vmem>>) target_semaphore(%run_scoped3A : memref<!tpu.dma_semaphore, #tpu.memory_space<semaphore_mem>>)
        %dma_wait3A = tpu.memref_slice %arg3[%mul3A_28] : memref<320000xi32, #tpu.memory_space<hbm>> -> memref<12160xi32, #tpu.memory_space<hbm>>
        %dma_wait3A_30 = tpu.memref_slice %arg3[%mul3A_28] : memref<320000xi32, #tpu.memory_space<hbm>> -> memref<12160xi32, #tpu.memory_space<hbm>>
        tpu.wait_dma2 semaphore(%run_scoped3A : memref<!tpu.dma_semaphore, #tpu.memory_space<semaphore_mem>>) src(%dma_wait3A_30 : memref<12160xi32, #tpu.memory_space<hbm>>) dst(%arg7 : memref<12160xi32, #tpu.memory_space<vmem>>)
        tpu.yield
      }) : () -> ()
      "tpu.region"() ({
        %run_scoped3A = tpu.sem_alloc : memref<!tpu.dma_semaphore, #tpu.memory_space<semaphore_mem>>
        %dma_start3A = tpu.memref_slice %arg4[%mul3A_28] : memref<320000xi32, #tpu.memory_space<hbm>> -> memref<12160xi32, #tpu.memory_space<hbm>>
        %dma_start3A_29 = tpu.memref_slice %arg4[%mul3A_28] : memref<320000xi32, #tpu.memory_space<hbm>> -> memref<12160xi32, #tpu.memory_space<hbm>>
        tpu.enqueue_dma source(%dma_start3A_29 : memref<12160xi32, #tpu.memory_space<hbm>>) target(%arg8 : memref<12160xi32, #tpu.memory_space<vmem>>) target_semaphore(%run_scoped3A : memref<!tpu.dma_semaphore, #tpu.memory_space<semaphore_mem>>)
        %dma_wait3A = tpu.memref_slice %arg4[%mul3A_28] : memref<320000xi32, #tpu.memory_space<hbm>> -> memref<12160xi32, #tpu.memory_space<hbm>>
        %dma_wait3A_30 = tpu.memref_slice %arg4[%mul3A_28] : memref<320000xi32, #tpu.memory_space<hbm>> -> memref<12160xi32, #tpu.memory_space<hbm>>
        tpu.wait_dma2 semaphore(%run_scoped3A : memref<!tpu.dma_semaphore, #tpu.memory_space<semaphore_mem>>) src(%dma_wait3A_30 : memref<12160xi32, #tpu.memory_space<hbm>>) dst(%arg8 : memref<12160xi32, #tpu.memory_space<vmem>>)
        tpu.yield
      }) : () -> ()
    } else {
    }
    %ne3A = arith.constant 0 : i32
    %ne3A_3 = arith.cmpi ne, %arg0, %ne3A : i32
    %convert_element_type3A_4 = arith.extui %ne3A_3 : i1 to i32
    %cond3A_5 = arith.constant 0 : i32
    %cond3A_6 = arith.cmpi ne, %convert_element_type3A_4, %cond3A_5 : i32
    scf.if %cond3A_6 {
      %mul3A_27 = arith.constant 61 : i32
      %mul3A_28 = arith.muli %arg1, %mul3A_27 : i32
      %add3A_29 = arith.constant 1520 : i32
      %add3A_30 = arith.addi %add3A_29, %mul3A_28 : i32
      %min3A = arith.constant 4 : i32
      %min3A_31 = arith.minsi %arg1, %min3A : i32
      %add3A_32 = arith.addi %add3A_30, %min3A_31 : i32
      %mul3A_33 = arith.constant 128 : i32
      %mul3A_34 = arith.muli %add3A_32, %mul3A_33 : i32
      "tpu.region"() ({
        %run_scoped3A = tpu.sem_alloc : memref<!tpu.dma_semaphore, #tpu.memory_space<semaphore_mem>>
        %dma_start3A = arith.constant 0 : i32
        %dma_start3A_40 = tpu.memref_slice %arg7[%dma_start3A] : memref<12160xi32, #tpu.memory_space<vmem>> -> memref<7808xi32, #tpu.memory_space<vmem>>
        %dma_start3A_41 = tpu.memref_slice %arg3[%mul3A_34] : memref<320000xi32, #tpu.memory_space<hbm>> -> memref<7808xi32, #tpu.memory_space<hbm>>
        %dma_start3A_42 = arith.constant 0 : i32
        %dma_start3A_43 = tpu.memref_slice %arg7[%dma_start3A_42] : memref<12160xi32, #tpu.memory_space<vmem>> -> memref<7808xi32, #tpu.memory_space<vmem>>
        %dma_start3A_44 = tpu.memref_slice %arg3[%mul3A_34] : memref<320000xi32, #tpu.memory_space<hbm>> -> memref<7808xi32, #tpu.memory_space<hbm>>
        tpu.enqueue_dma source(%dma_start3A_44 : memref<7808xi32, #tpu.memory_space<hbm>>) target(%dma_start3A_43 : memref<7808xi32, #tpu.memory_space<vmem>>) target_semaphore(%run_scoped3A : memref<!tpu.dma_semaphore, #tpu.memory_space<semaphore_mem>>)
        %dma_wait3A = arith.constant 0 : i32
        %dma_wait3A_45 = tpu.memref_slice %arg7[%dma_wait3A] : memref<12160xi32, #tpu.memory_space<vmem>> -> memref<7808xi32, #tpu.memory_space<vmem>>
        %dma_wait3A_46 = tpu.memref_slice %arg3[%mul3A_34] : memref<320000xi32, #tpu.memory_space<hbm>> -> memref<7808xi32, #tpu.memory_space<hbm>>
        %dma_wait3A_47 = arith.constant 0 : i32
        %dma_wait3A_48 = tpu.memref_slice %arg7[%dma_wait3A_47] : memref<12160xi32, #tpu.memory_space<vmem>> -> memref<7808xi32, #tpu.memory_space<vmem>>
        %dma_wait3A_49 = tpu.memref_slice %arg3[%mul3A_34] : memref<320000xi32, #tpu.memory_space<hbm>> -> memref<7808xi32, #tpu.memory_space<hbm>>
        tpu.wait_dma2 semaphore(%run_scoped3A : memref<!tpu.dma_semaphore, #tpu.memory_space<semaphore_mem>>) src(%dma_wait3A_49 : memref<7808xi32, #tpu.memory_space<hbm>>) dst(%dma_wait3A_48 : memref<7808xi32, #tpu.memory_space<vmem>>)
        tpu.yield
      }) : () -> ()
      "tpu.region"() ({
        %run_scoped3A = tpu.sem_alloc : memref<!tpu.dma_semaphore, #tpu.memory_space<semaphore_mem>>
        %dma_start3A = arith.constant 0 : i32
        %dma_start3A_40 = tpu.memref_slice %arg8[%dma_start3A] : memref<12160xi32, #tpu.memory_space<vmem>> -> memref<7808xi32, #tpu.memory_space<vmem>>
        %dma_start3A_41 = tpu.memref_slice %arg4[%mul3A_34] : memref<320000xi32, #tpu.memory_space<hbm>> -> memref<7808xi32, #tpu.memory_space<hbm>>
        %dma_start3A_42 = arith.constant 0 : i32
        %dma_start3A_43 = tpu.memref_slice %arg8[%dma_start3A_42] : memref<12160xi32, #tpu.memory_space<vmem>> -> memref<7808xi32, #tpu.memory_space<vmem>>
        %dma_start3A_44 = tpu.memref_slice %arg4[%mul3A_34] : memref<320000xi32, #tpu.memory_space<hbm>> -> memref<7808xi32, #tpu.memory_space<hbm>>
        tpu.enqueue_dma source(%dma_start3A_44 : memref<7808xi32, #tpu.memory_space<hbm>>) target(%dma_start3A_43 : memref<7808xi32, #tpu.memory_space<vmem>>) target_semaphore(%run_scoped3A : memref<!tpu.dma_semaphore, #tpu.memory_space<semaphore_mem>>)
        %dma_wait3A = arith.constant 0 : i32
        %dma_wait3A_45 = tpu.memref_slice %arg8[%dma_wait3A] : memref<12160xi32, #tpu.memory_space<vmem>> -> memref<7808xi32, #tpu.memory_space<vmem>>
        %dma_wait3A_46 = tpu.memref_slice %arg4[%mul3A_34] : memref<320000xi32, #tpu.memory_space<hbm>> -> memref<7808xi32, #tpu.memory_space<hbm>>
        %dma_wait3A_47 = arith.constant 0 : i32
        %dma_wait3A_48 = tpu.memref_slice %arg8[%dma_wait3A_47] : memref<12160xi32, #tpu.memory_space<vmem>> -> memref<7808xi32, #tpu.memory_space<vmem>>
        %dma_wait3A_49 = tpu.memref_slice %arg4[%mul3A_34] : memref<320000xi32, #tpu.memory_space<hbm>> -> memref<7808xi32, #tpu.memory_space<hbm>>
        tpu.wait_dma2 semaphore(%run_scoped3A : memref<!tpu.dma_semaphore, #tpu.memory_space<semaphore_mem>>) src(%dma_wait3A_49 : memref<7808xi32, #tpu.memory_space<hbm>>) dst(%dma_wait3A_48 : memref<7808xi32, #tpu.memory_space<vmem>>)
        tpu.yield
      }) : () -> ()
      %lt3A_35 = arith.constant 4 : i32
      %lt3A_36 = arith.cmpi slt, %arg1, %lt3A_35 : i32
      %convert_element_type3A_37 = arith.extui %lt3A_36 : i1 to i32
      %cond3A_38 = arith.constant 0 : i32
      %cond3A_39 = arith.cmpi ne, %convert_element_type3A_37, %cond3A_38 : i32
      scf.if %cond3A_39 {
        %add3A_40 = arith.constant 7808 : i32
        %add3A_41 = arith.addi %mul3A_34, %add3A_40 : i32
        "tpu.region"() ({
          %run_scoped3A = tpu.sem_alloc : memref<!tpu.dma_semaphore, #tpu.memory_space<semaphore_mem>>
          %dma_start3A = arith.constant 7808 : i32
          %dma_start3A_44 = tpu.memref_slice %arg7[%dma_start3A] : memref<12160xi32, #tpu.memory_space<vmem>> -> memref<128xi32, #tpu.memory_space<vmem>>
          %dma_start3A_45 = tpu.memref_slice %arg3[%add3A_41] : memref<320000xi32, #tpu.memory_space<hbm>> -> memref<128xi32, #tpu.memory_space<hbm>>
          %dma_start3A_46 = arith.constant 7808 : i32
          %dma_start3A_47 = tpu.memref_slice %arg7[%dma_start3A_46] : memref<12160xi32, #tpu.memory_space<vmem>> -> memref<128xi32, #tpu.memory_space<vmem>>
          %dma_start3A_48 = tpu.memref_slice %arg3[%add3A_41] : memref<320000xi32, #tpu.memory_space<hbm>> -> memref<128xi32, #tpu.memory_space<hbm>>
          tpu.enqueue_dma source(%dma_start3A_48 : memref<128xi32, #tpu.memory_space<hbm>>) target(%dma_start3A_47 : memref<128xi32, #tpu.memory_space<vmem>>) target_semaphore(%run_scoped3A : memref<!tpu.dma_semaphore, #tpu.memory_space<semaphore_mem>>)
          %dma_wait3A = arith.constant 7808 : i32
          %dma_wait3A_49 = tpu.memref_slice %arg7[%dma_wait3A] : memref<12160xi32, #tpu.memory_space<vmem>> -> memref<128xi32, #tpu.memory_space<vmem>>
          %dma_wait3A_50 = tpu.memref_slice %arg3[%add3A_41] : memref<320000xi32, #tpu.memory_space<hbm>> -> memref<128xi32, #tpu.memory_space<hbm>>
          %dma_wait3A_51 = arith.constant 7808 : i32
          %dma_wait3A_52 = tpu.memref_slice %arg7[%dma_wait3A_51] : memref<12160xi32, #tpu.memory_space<vmem>> -> memref<128xi32, #tpu.memory_space<vmem>>
          %dma_wait3A_53 = tpu.memref_slice %arg3[%add3A_41] : memref<320000xi32, #tpu.memory_space<hbm>> -> memref<128xi32, #tpu.memory_space<hbm>>
          tpu.wait_dma2 semaphore(%run_scoped3A : memref<!tpu.dma_semaphore, #tpu.memory_space<semaphore_mem>>) src(%dma_wait3A_53 : memref<128xi32, #tpu.memory_space<hbm>>) dst(%dma_wait3A_52 : memref<128xi32, #tpu.memory_space<vmem>>)
          tpu.yield
        }) : () -> ()
        %add3A_42 = arith.constant 7808 : i32
        %add3A_43 = arith.addi %mul3A_34, %add3A_42 : i32
        "tpu.region"() ({
          %run_scoped3A = tpu.sem_alloc : memref<!tpu.dma_semaphore, #tpu.memory_space<semaphore_mem>>
          %dma_start3A = arith.constant 7808 : i32
          %dma_start3A_44 = tpu.memref_slice %arg8[%dma_start3A] : memref<12160xi32, #tpu.memory_space<vmem>> -> memref<128xi32, #tpu.memory_space<vmem>>
          %dma_start3A_45 = tpu.memref_slice %arg4[%add3A_43] : memref<320000xi32, #tpu.memory_space<hbm>> -> memref<128xi32, #tpu.memory_space<hbm>>
          %dma_start3A_46 = arith.constant 7808 : i32
          %dma_start3A_47 = tpu.memref_slice %arg8[%dma_start3A_46] : memref<12160xi32, #tpu.memory_space<vmem>> -> memref<128xi32, #tpu.memory_space<vmem>>
          %dma_start3A_48 = tpu.memref_slice %arg4[%add3A_43] : memref<320000xi32, #tpu.memory_space<hbm>> -> memref<128xi32, #tpu.memory_space<hbm>>
          tpu.enqueue_dma source(%dma_start3A_48 : memref<128xi32, #tpu.memory_space<hbm>>) target(%dma_start3A_47 : memref<128xi32, #tpu.memory_space<vmem>>) target_semaphore(%run_scoped3A : memref<!tpu.dma_semaphore, #tpu.memory_space<semaphore_mem>>)
          %dma_wait3A = arith.constant 7808 : i32
          %dma_wait3A_49 = tpu.memref_slice %arg8[%dma_wait3A] : memref<12160xi32, #tpu.memory_space<vmem>> -> memref<128xi32, #tpu.memory_space<vmem>>
          %dma_wait3A_50 = tpu.memref_slice %arg4[%add3A_43] : memref<320000xi32, #tpu.memory_space<hbm>> -> memref<128xi32, #tpu.memory_space<hbm>>
          %dma_wait3A_51 = arith.constant 7808 : i32
          %dma_wait3A_52 = tpu.memref_slice %arg8[%dma_wait3A_51] : memref<12160xi32, #tpu.memory_space<vmem>> -> memref<128xi32, #tpu.memory_space<vmem>>
          %dma_wait3A_53 = tpu.memref_slice %arg4[%add3A_43] : memref<320000xi32, #tpu.memory_space<hbm>> -> memref<128xi32, #tpu.memory_space<hbm>>
          tpu.wait_dma2 semaphore(%run_scoped3A : memref<!tpu.dma_semaphore, #tpu.memory_space<semaphore_mem>>) src(%dma_wait3A_53 : memref<128xi32, #tpu.memory_space<hbm>>) dst(%dma_wait3A_52 : memref<128xi32, #tpu.memory_space<vmem>>)
          tpu.yield
        }) : () -> ()
      } else {
      }
    } else {
    }
    %barrier3A = arith.constant 0 : index
    tpu.barrier barrier_id(%barrier3A)
    %eq3A_7 = arith.constant 0 : i32
    %eq3A_8 = arith.cmpi eq, %arg0, %eq3A_7 : i32
    %lt3A = arith.constant 4 : i32
    %lt3A_9 = arith.cmpi slt, %arg1, %lt3A : i32
    %jit3A = arith.constant 1 : i32
    %jit3A_10 = arith.constant 0 : i32
    %select_n3A = arith.select %lt3A_9, %jit3A, %jit3A_10 : i32
    %add3A = arith.constant 61 : i32
    %add3A_11 = arith.addi %add3A, %select_n3A : i32
    %jit3A_12 = arith.constant 95 : i32
    %select_n3A_13 = arith.select %eq3A_8, %jit3A_12, %add3A_11 : i32
    %while3A = arith.constant 0 : i32
    %while3A_14 = arith.subi %select_n3A_13, %while3A : i32
    %while3A_15 = arith.addi %while3A, %while3A_14 : i32
    %while3A_16 = arith.constant 1 : i32
    %while3A_17 = arith.divsi %while3A_14, %while3A_16 : i32
    %while3A_18 = arith.muli %while3A_17, %while3A_16 : i32
    %while3A_19 = arith.addi %while3A, %while3A_18 : i32
    %while3A_20 = arith.constant 1 : i32
    scf.for %while3A_27 = %while3A to %while3A_19 step %while3A_20  : i32 {
      %mul3A_28 = arith.constant 128 : i32
      %mul3A_29 = arith.muli %while3A_27, %mul3A_28 : i32
      "tpu.region"() ({
        %run_scoped3A = tpu.sem_alloc : memref<!tpu.dma_semaphore, #tpu.memory_space<semaphore_mem>>
        %dma_start3A = tpu.memref_slice %arg7[%mul3A_29] : memref<12160xi32, #tpu.memory_space<vmem>> -> memref<128xi32, #tpu.memory_space<vmem>>
        %dma_start3A_32 = arith.constant 0 : i32
        %dma_start3A_33 = arith.constant 0 : i32
        %dma_start3A_34 = tpu.memref_slice %arg2[%dma_start3A_32, %dma_start3A_33] : memref<10000x128xf32, #tpu.memory_space<hbm>> -> memref<10000x128xf32, #tpu.memory_space<hbm>>
        tpu.enqueue_indirect_dma source(%dma_start3A_34 : memref<10000x128xf32, #tpu.memory_space<hbm>>) target(%arg9 : memref<128x128xf32, #tpu.memory_space<vmem>>) offsets(%dma_start3A : memref<128xi32, #tpu.memory_space<vmem>>) semaphore(%run_scoped3A : memref<!tpu.dma_semaphore, #tpu.memory_space<semaphore_mem>>)
        %dma_wait3A = tpu.memref_slice %arg7[%mul3A_29] : memref<12160xi32, #tpu.memory_space<vmem>> -> memref<128xi32, #tpu.memory_space<vmem>>
        %dma_wait3A_35 = arith.constant 0 : i32
        %dma_wait3A_36 = arith.constant 0 : i32
        %dma_wait3A_37 = tpu.memref_slice %arg2[%dma_wait3A_35, %dma_wait3A_36] : memref<10000x128xf32, #tpu.memory_space<hbm>> -> memref<10000x128xf32, #tpu.memory_space<hbm>>
        tpu.wait_indirect_dma semaphore(%run_scoped3A : memref<!tpu.dma_semaphore, #tpu.memory_space<semaphore_mem>>) src(%dma_wait3A_37 : memref<10000x128xf32, #tpu.memory_space<hbm>>) dst(%arg9 : memref<128x128xf32, #tpu.memory_space<vmem>>)
        tpu.yield
      }) : () -> ()
      %mul3A_30 = arith.constant 128 : i32
      %mul3A_31 = arith.muli %while3A_27, %mul3A_30 : i32
      "tpu.region"() ({
        %run_scoped3A = tpu.sem_alloc : memref<!tpu.dma_semaphore, #tpu.memory_space<semaphore_mem>>
        %dma_start3A = tpu.memref_slice %arg8[%mul3A_31] : memref<12160xi32, #tpu.memory_space<vmem>> -> memref<128xi32, #tpu.memory_space<vmem>>
        %dma_start3A_32 = arith.constant 0 : i32
        %dma_start3A_33 = arith.constant 0 : i32
        %dma_start3A_34 = tpu.memref_slice %arg10[%dma_start3A_32, %dma_start3A_33] : memref<10112x128xf32, #tpu.memory_space<vmem_shared>> -> memref<10112x128xf32, #tpu.memory_space<vmem_shared>>
        tpu.enqueue_indirect_dma source(%arg9 : memref<128x128xf32, #tpu.memory_space<vmem>>) target(%dma_start3A_34 : memref<10112x128xf32, #tpu.memory_space<vmem_shared>>) offsets(%dma_start3A : memref<128xi32, #tpu.memory_space<vmem>>) semaphore(%run_scoped3A : memref<!tpu.dma_semaphore, #tpu.memory_space<semaphore_mem>>) {add = true}
        %dma_wait3A = tpu.memref_slice %arg8[%mul3A_31] : memref<12160xi32, #tpu.memory_space<vmem>> -> memref<128xi32, #tpu.memory_space<vmem>>
        %dma_wait3A_35 = arith.constant 0 : i32
        %dma_wait3A_36 = arith.constant 0 : i32
        %dma_wait3A_37 = tpu.memref_slice %arg10[%dma_wait3A_35, %dma_wait3A_36] : memref<10112x128xf32, #tpu.memory_space<vmem_shared>> -> memref<10112x128xf32, #tpu.memory_space<vmem_shared>>
        tpu.wait_indirect_dma semaphore(%run_scoped3A : memref<!tpu.dma_semaphore, #tpu.memory_space<semaphore_mem>>) src(%arg9 : memref<128x128xf32, #tpu.memory_space<vmem>>) dst(%dma_wait3A_37 : memref<10112x128xf32, #tpu.memory_space<vmem_shared>>)
        tpu.yield
      }) : () -> ()
    }
    %while3A_21 = arith.constant 1 : i32
    scf.for %while3A_27 = %while3A_19 to %while3A_15 step %while3A_21  : i32 {
      %mul3A_28 = arith.constant 128 : i32
      %mul3A_29 = arith.muli %while3A_27, %mul3A_28 : i32
      "tpu.region"() ({
        %run_scoped3A = tpu.sem_alloc : memref<!tpu.dma_semaphore, #tpu.memory_space<semaphore_mem>>
        %dma_start3A = tpu.memref_slice %arg7[%mul3A_29] : memref<12160xi32, #tpu.memory_space<vmem>> -> memref<128xi32, #tpu.memory_space<vmem>>
        %dma_start3A_32 = arith.constant 0 : i32
        %dma_start3A_33 = arith.constant 0 : i32
        %dma_start3A_34 = tpu.memref_slice %arg2[%dma_start3A_32, %dma_start3A_33] : memref<10000x128xf32, #tpu.memory_space<hbm>> -> memref<10000x128xf32, #tpu.memory_space<hbm>>
        tpu.enqueue_indirect_dma source(%dma_start3A_34 : memref<10000x128xf32, #tpu.memory_space<hbm>>) target(%arg9 : memref<128x128xf32, #tpu.memory_space<vmem>>) offsets(%dma_start3A : memref<128xi32, #tpu.memory_space<vmem>>) semaphore(%run_scoped3A : memref<!tpu.dma_semaphore, #tpu.memory_space<semaphore_mem>>)
        %dma_wait3A = tpu.memref_slice %arg7[%mul3A_29] : memref<12160xi32, #tpu.memory_space<vmem>> -> memref<128xi32, #tpu.memory_space<vmem>>
        %dma_wait3A_35 = arith.constant 0 : i32
        %dma_wait3A_36 = arith.constant 0 : i32
        %dma_wait3A_37 = tpu.memref_slice %arg2[%dma_wait3A_35, %dma_wait3A_36] : memref<10000x128xf32, #tpu.memory_space<hbm>> -> memref<10000x128xf32, #tpu.memory_space<hbm>>
        tpu.wait_indirect_dma semaphore(%run_scoped3A : memref<!tpu.dma_semaphore, #tpu.memory_space<semaphore_mem>>) src(%dma_wait3A_37 : memref<10000x128xf32, #tpu.memory_space<hbm>>) dst(%arg9 : memref<128x128xf32, #tpu.memory_space<vmem>>)
        tpu.yield
      }) : () -> ()
      %mul3A_30 = arith.constant 128 : i32
      %mul3A_31 = arith.muli %while3A_27, %mul3A_30 : i32
      "tpu.region"() ({
        %run_scoped3A = tpu.sem_alloc : memref<!tpu.dma_semaphore, #tpu.memory_space<semaphore_mem>>
        %dma_start3A = tpu.memref_slice %arg8[%mul3A_31] : memref<12160xi32, #tpu.memory_space<vmem>> -> memref<128xi32, #tpu.memory_space<vmem>>
        %dma_start3A_32 = arith.constant 0 : i32
        %dma_start3A_33 = arith.constant 0 : i32
        %dma_start3A_34 = tpu.memref_slice %arg10[%dma_start3A_32, %dma_start3A_33] : memref<10112x128xf32, #tpu.memory_space<vmem_shared>> -> memref<10112x128xf32, #tpu.memory_space<vmem_shared>>
        tpu.enqueue_indirect_dma source(%arg9 : memref<128x128xf32, #tpu.memory_space<vmem>>) target(%dma_start3A_34 : memref<10112x128xf32, #tpu.memory_space<vmem_shared>>) offsets(%dma_start3A : memref<128xi32, #tpu.memory_space<vmem>>) semaphore(%run_scoped3A : memref<!tpu.dma_semaphore, #tpu.memory_space<semaphore_mem>>) {add = true}
        %dma_wait3A = tpu.memref_slice %arg8[%mul3A_31] : memref<12160xi32, #tpu.memory_space<vmem>> -> memref<128xi32, #tpu.memory_space<vmem>>
        %dma_wait3A_35 = arith.constant 0 : i32
        %dma_wait3A_36 = arith.constant 0 : i32
        %dma_wait3A_37 = tpu.memref_slice %arg10[%dma_wait3A_35, %dma_wait3A_36] : memref<10112x128xf32, #tpu.memory_space<vmem_shared>> -> memref<10112x128xf32, #tpu.memory_space<vmem_shared>>
        tpu.wait_indirect_dma semaphore(%run_scoped3A : memref<!tpu.dma_semaphore, #tpu.memory_space<semaphore_mem>>) src(%arg9 : memref<128x128xf32, #tpu.memory_space<vmem>>) dst(%dma_wait3A_37 : memref<10112x128xf32, #tpu.memory_space<vmem_shared>>)
        tpu.yield
      }) : () -> ()
    }
    %barrier3A_22 = arith.constant 0 : index
    tpu.barrier barrier_id(%barrier3A_22)
    %mul3A_23 = arith.constant 632 : i32
    %mul3A_24 = arith.muli %arg1, %mul3A_23 : i32
    %mul3A_25 = arith.constant 632 : i32
    %mul3A_26 = arith.muli %arg1, %mul3A_25 : i32
    "tpu.region"() ({
      %run_scoped3A = tpu.sem_alloc : memref<!tpu.dma_semaphore, #tpu.memory_space<semaphore_mem>>
      %dma_start3A = arith.constant 0 : i32
      %dma_start3A_27 = tpu.memref_slice %arg6[%arg0, %mul3A_26, %dma_start3A] : memref<2x10112x128xf32, #tpu.memory_space<hbm>> -> memref<1x632x128xf32, #tpu.memory_space<hbm>>
      %dma_start3A_28 = tpu.memref_squeeze %dma_start3A_27 : memref<1x632x128xf32, #tpu.memory_space<hbm>> -> memref<632x128xf32, #tpu.memory_space<hbm>>
      %dma_start3A_29 = arith.constant 0 : i32
      %dma_start3A_30 = tpu.memref_slice %arg10[%mul3A_24, %dma_start3A_29] : memref<10112x128xf32, #tpu.memory_space<vmem_shared>> -> memref<632x128xf32, #tpu.memory_space<vmem_shared>>
      tpu.enqueue_dma source(%dma_start3A_30 : memref<632x128xf32, #tpu.memory_space<vmem_shared>>) target(%dma_start3A_28 : memref<632x128xf32, #tpu.memory_space<hbm>>) target_semaphore(%run_scoped3A : memref<!tpu.dma_semaphore, #tpu.memory_space<semaphore_mem>>)
      %dma_wait3A = arith.constant 0 : i32
      %dma_wait3A_31 = tpu.memref_slice %arg6[%arg0, %mul3A_26, %dma_wait3A] : memref<2x10112x128xf32, #tpu.memory_space<hbm>> -> memref<1x632x128xf32, #tpu.memory_space<hbm>>
      %dma_wait3A_32 = tpu.memref_squeeze %dma_wait3A_31 : memref<1x632x128xf32, #tpu.memory_space<hbm>> -> memref<632x128xf32, #tpu.memory_space<hbm>>
      %dma_wait3A_33 = arith.constant 0 : i32
      %dma_wait3A_34 = tpu.memref_slice %arg10[%mul3A_24, %dma_wait3A_33] : memref<10112x128xf32, #tpu.memory_space<vmem_shared>> -> memref<632x128xf32, #tpu.memory_space<vmem_shared>>
      tpu.wait_dma2 semaphore(%run_scoped3A : memref<!tpu.dma_semaphore, #tpu.memory_space<semaphore_mem>>) src(%dma_wait3A_34 : memref<632x128xf32, #tpu.memory_space<vmem_shared>>) dst(%dma_wait3A_32 : memref<632x128xf32, #tpu.memory_space<hbm>>)
      tpu.yield
    }) : () -> ()
    return
  }
}

module attributes {stable_mosaic.version = 14 : i64} {
  func.func @body(%arg0: i32, %arg1: memref<1000x128xf32, #tpu.memory_space<vmem>>, %arg2: memref<1x1000x128xf32, #tpu.memory_space<vmem>>, %arg3: memref<1x1000x128xf32, #tpu.memory_space<vmem>>, %arg4: memref<128x128xf32, #tpu.memory_space<vmem>>, %arg5: memref<128x128xf32, #tpu.memory_space<vmem>>, %arg6: memref<1000x128xf32, #tpu.memory_space<vmem>>) attributes {dimension_semantics = [#tpu.dimension_semantics<arbitrary>], iteration_bounds = array<i64: 10>, scalar_prefetch = 0 : i64, scratch_operands = 0 : i64, tpu.core_type = #tpu.core_type<tc>, window_params = [{transform_indices = @transform_0, window_bounds = array<i64: 1000, 128>}, {transform_indices = @transform_1, window_bounds = array<i64: 1, 1000, 128>}, {transform_indices = @transform_2, window_bounds = array<i64: 1, 1000, 128>}, {pipeline_mode = #tpu.pipeline_mode<synchronous>, transform_indices = @transform_3, window_bounds = array<i64: 128, 128>}, {pipeline_mode = #tpu.pipeline_mode<synchronous>, transform_indices = @transform_4, window_bounds = array<i64: 128, 128>}, {transform_indices = @transform_5, window_bounds = array<i64: 1000, 128>}]} {
    %get3A = arith.constant 0 : index
    %get3A_0 = arith.constant 0 : index
    %get3A_1 = vector.load %arg1[%get3A, %get3A_0] : memref<1000x128xf32, #tpu.memory_space<vmem>>, vector<1000x128xf32>
    %get3A_2 = arith.constant 0 : index
    %get3A_3 = arith.constant 0 : index
    %get3A_4 = vector.load %arg4[%get3A_2, %get3A_3] : memref<128x128xf32, #tpu.memory_space<vmem>>, vector<128x128xf32>
    %dot_general3A = arith.constant dense<0.000000e+00> : vector<1000x128xf32>
    %dot_general3A_5 = tpu.matmul %get3A_1, %get3A_4, %dot_general3A {dimension_numbers = #tpu.dot_dimension_numbers<[1], [0], [0], [1], [0, 0, 1, 1], [], []>, precision = #tpu.contract_precision<fp32>, transpose_lhs_hint = false} : vector<1000x128xf32>, vector<128x128xf32>, vector<1000x128xf32> -> vector<1000x128xf32>
    %get3A_6 = arith.constant 0 : index
    %get3A_7 = arith.constant 0 : index
    %get3A_8 = arith.constant 0 : index
    %get3A_9 = vector.load %arg2[%get3A_6, %get3A_7, %get3A_8] : memref<1x1000x128xf32, #tpu.memory_space<vmem>>, vector<1x1000x128xf32>
    %get3A_10 = vector.shape_cast %get3A_9 : vector<1x1000x128xf32> to vector<1000x128xf32>
    %get3A_11 = arith.constant 0 : index
    %get3A_12 = arith.constant 0 : index
    %get3A_13 = arith.constant 0 : index
    %get3A_14 = vector.load %arg3[%get3A_11, %get3A_12, %get3A_13] : memref<1x1000x128xf32, #tpu.memory_space<vmem>>, vector<1x1000x128xf32>
    %get3A_15 = vector.shape_cast %get3A_14 : vector<1x1000x128xf32> to vector<1000x128xf32>
    %add3A = arith.addf %get3A_10, %get3A_15 : vector<1000x128xf32>
    %get3A_16 = arith.constant 0 : index
    %get3A_17 = arith.constant 0 : index
    %get3A_18 = vector.load %arg5[%get3A_16, %get3A_17] : memref<128x128xf32, #tpu.memory_space<vmem>>, vector<128x128xf32>
    %dot_general3A_19 = arith.constant dense<0.000000e+00> : vector<1000x128xf32>
    %dot_general3A_20 = tpu.matmul %add3A, %get3A_18, %dot_general3A_19 {dimension_numbers = #tpu.dot_dimension_numbers<[1], [0], [0], [1], [0, 0, 1, 1], [], []>, precision = #tpu.contract_precision<fp32>, transpose_lhs_hint = false} : vector<1000x128xf32>, vector<128x128xf32>, vector<1000x128xf32> -> vector<1000x128xf32>
    %add3A_21 = arith.addf %dot_general3A_5, %dot_general3A_20 : vector<1000x128xf32>
    %max3A = arith.constant 0.000000e+00 : f32
    %max3A_22 = vector.broadcast %max3A : f32 to vector<1000x128xf32>
    %max3A_23 = arith.maximumf %add3A_21, %max3A_22 : vector<1000x128xf32>
    %swap3A = arith.constant 0 : index
    %swap3A_24 = arith.constant 0 : index
    %swap3A_25 = vector.load %arg6[%swap3A, %swap3A_24] : memref<1000x128xf32, #tpu.memory_space<vmem>>, vector<1000x128xf32>
    tpu.vector_store %arg6[%swap3A, %swap3A_24], %max3A_23 {strides = array<i32>} : memref<1000x128xf32, #tpu.memory_space<vmem>>, vector<1000x128xf32>,
    return
  }
  func.func @transform_0(%arg0: i32) -> (i32, i32) {
    %c0_i32 = arith.constant 0 : i32
    %c0_i32_0 = arith.constant 0 : i32
    return %arg0, %c0_i32 : i32, i32
  }
  func.func @transform_1(%arg0: i32) -> (i32, i32, i32) {
    %c0_i32 = arith.constant 0 : i32
    %c0_i32_0 = arith.constant 0 : i32
    %c0_i32_1 = arith.constant 0 : i32
    return %c0_i32, %arg0, %c0_i32_0 : i32, i32, i32
  }
  func.func @transform_2(%arg0: i32) -> (i32, i32, i32) {
    %c1_i32 = arith.constant 1 : i32
    %c0_i32 = arith.constant 0 : i32
    %c0_i32_0 = arith.constant 0 : i32
    return %c1_i32, %arg0, %c0_i32 : i32, i32, i32
  }
  func.func @transform_3(%arg0: i32) -> (i32, i32) {
    %c0_i32 = arith.constant 0 : i32
    %c0_i32_0 = arith.constant 0 : i32
    %c0_i32_1 = arith.constant 0 : i32
    return %c0_i32, %c0_i32_0 : i32, i32
  }
  func.func @transform_4(%arg0: i32) -> (i32, i32) {
    %c0_i32 = arith.constant 0 : i32
    %c0_i32_0 = arith.constant 0 : i32
    %c0_i32_1 = arith.constant 0 : i32
    return %c0_i32, %c0_i32_0 : i32, i32
  }
  func.func @transform_5(%arg0: i32) -> (i32, i32) {
    %c0_i32 = arith.constant 0 : i32
    %c0_i32_0 = arith.constant 0 : i32
    return %arg0, %c0_i32 : i32, i32
  }
}

</mosaic_0001>

<sc_bundles>
// kernel: kernel.4.cloned.1.call-start
scs
__scs_entry_jumppad:
0x0: {  	(pc) =	sbr.rel $0x88, $3  }
0x1: {  	(tag) =	ssettag $0x0;
	lr =	simm.s32 $0x1  }
0x2: {  	[smem:$0x3F9D] =	sst lr;
	_ =	strace $0xD0000000  }
0x3: {  	_ = 	snop  }
0x4: {  	_ = 	snop  }
0x5: {  	_ = 	snop  }
0x6: {  	_ = 	snop  }
0x7: {  	_ = 	snop  }
__scs_overlays_trampoline_lowered:
0x8: {  	[smem:$0x3FAC] =	sst s0  }
0x9: {  	[smem:$0x3FAD] =	sst s1  }
0xa: {  	[smem:$0x3FAE] =	sst s2  }
0xb: {  	[smem:$0x3FAF] =	sst s3  }
0xc: {  	[smem:$0x3FB0] =	sst s4  }
0xd: {  	[smem:$0x3FB1] =	sst s5  }
0xe: {  	[smem:$0x3FB2] =	sst s6  }
0xf: {  	[smem:$0x3FB3] =	sst s7  }
0x10: {  	[smem:$0x3FB4] =	sst s8  }
0x11: {  	[smem:$0x3FB5] =	sst s9;
	s0 =	simm.s32 @!p0 $0x0  }
0x12: {  	s1 =	sld [smem:$0x3F9B];
	s0 =	simm.s32 @p0 $0x1  }
0x13: {  	[smem:$0x3FB6] =	sst s0;
	s0 =	simm.s32 @!p1 $0x0  }
0x14: {  	s2 =	sld [smem:$0x3F9A];
	s0 =	simm.s32 @p1 $0x1  }
0x15: {  	[smem:$0x3FB7] =	sst s0;
	s0 =	simm.s32 @!p2 $0x0  }
0x16: {  	s3 =	sld [smem:$0x3FDB];
	s0 =	simm.s32 @p2 $0x1  }
0x17: {  	s4 =	simm.s32 $0x1BF5;
	[smem:$0x3FB9] =	sst s0  }
0x18: {  	s0 =	sld [smem:$0x3F9C];
	_ =	swait.ge [sflag:s4], $0x0  }
0x19: {  	s7 =	sld [smem:$0x3F9D]  }
0x1a: {  	s8 =	sadd.s32 $0xFFFFE003, lr  }
0x1b: {  	s9 =	sadd.s32 $0xFFFFFEF7, lr;
	s5 =	simm.s32 $0xFFFFFFFF;
	p2 =	slt.u32 s8, $0xFFFFF086  }
0x1c: {  	p1 =	slt.u32 s9, $0xF7A;
	s5 =	simm.s32 @!p2 $0x0  }
0x1d: {  	s5 =	simm.s32 @p1 $0x1;
	p0 =	seq.s32 s7, s2  }
0x1e: {  	s7 =	smul.u32 @!p0 $0xF7A, s2;
	p2 =	seq.s32 @!p0 s5, $0x0  }
0x1f: {  	s9 =	smul.u32 $0xF7A, s1;
	s8 =	simm.s32 @!p0 $0x1BF5;
	p2 =	por !p2, p0  }
0x20: {  	[sflag:s8] =	ssyncset.s32 @!p0 $0xFFFFF086;
	s6 =	sadd.s32 @!p0 s3, s7;
	s7 =	simm.s32 @!p0 $0x108  }
0x21: {  	s3 =	sadd.s32 s3, s9;
	s6 =	sadd.s32 @!p0 $0x88, s6;
	s7 =	simm.s32 @p2 $0x1082  }
0x22: {  	[simem:s7], [sflag:s8] =	dma.local @!p0 [hbm:s6], $0xF7A  }
0x23: {  	s9 =	sor.u32 $0xD0000000, s2;
	s6 =	simm.s32 $0x108;
	_ =	swait.ge @!p0 [sflag:s8], $0x0  }
0x24: {  	s3 =	sadd.s32 $0x88, s3;
	s6 =	simm.s32 @!p1 $0x1082;
	[sflag:s4] =	ssyncset.s32 $0xFFFFF086  }
0x25: {  	[simem:s6], [sflag:s4] =	dma.local [hbm:s3], $0xF7A  }
0x26: {  	[smem:$0x3F9D] =	sst s1;
	(tag) =	ssettag s2;
	_ =	strace s9  }
0x27: {  	s1 =	sld [smem:$0x3FAD]  }
0x28: {  	s2 =	sld [smem:$0x3FAE]  }
0x29: {  	s4 =	sld [smem:$0x3FB0]  }
0x2a: {  	p0 =	seq.s32 s5, $0x0;
	s5 =	sld [smem:$0x3FB1]  }
0x2b: {  	s6 =	sld [smem:$0x3FB2]  }
0x2c: {  	s7 =	sld [smem:$0x3FB3]  }
0x2d: {  	s3 =	simm.s32 $0x108;
	s8 =	sld [smem:$0x3FB4]  }
0x2e: {  	s3 =	simm.s32 @!p0 $0x1082;
	s9 =	sld [smem:$0x3FB5]  }
0x2f: {  	lr =	sadd.s32 s0, s3;
	s0 =	sld [smem:$0x3FAC]  }
0x30: {  	s3 =	sld [smem:$0x3FAF]  }
0x31: {  	[smem:$0x3FB8] =	sst s10  }
0x32: {  	s10 =	sld [smem:$0x3FB6];
	_ =	sdelay $0x3  }
0x33: {  	p0 =	seq.s32 s10, $0x1;
	s10 =	sld [smem:$0x3FB8];
	_ =	sdelay $0x3  }
0x34: {  	[smem:$0x3FB8] =	sst s10  }
0x35: {  	s10 =	sld [smem:$0x3FB7];
	_ =	sdelay $0x3  }
0x36: {  	p1 =	seq.s32 s10, $0x1;
	s10 =	sld [smem:$0x3FB8];
	_ =	sdelay $0x3  }
0x37: {  	[smem:$0x3FB8] =	sst s10  }
0x38: {  	s10 =	sld [smem:$0x3FB9]  }
0x39: {  	_ = 	snop;
	(pc) =	sbr.ind lr, $3  }
0x3a: {  	_ = 	snop  }
0x3b: {  	_ = 	snop  }
0x3c: {  	p2 =	seq.s32 s10, $0x1;
	s10 =	sld [smem:$0x3FB8]  }
0x3d: {  	_ =	shalt  }
0x3e: {  	_ =	shalt  }
0x3f: {  	_ =	shalt  }
0x40: {  	_ =	shalt  }
0x41: {  	_ =	shalt  }
0x42: {  	_ =	shalt  }
0x43: {  	_ =	shalt  }
0x44: {  	_ =	shalt  }
0x45: {  	_ =	shalt  }
0x46: {  	_ =	shalt  }
0x47: {  	_ =	shalt  }
0x48: {  	_ =	shalt  }
0x49: {  	_ =	shalt  }
0x4a: {  	_ =	shalt  }
0x4b: {  	_ =	shalt  }
0x4c: {  	_ =	shalt  }
0x4d: {  	_ =	shalt  }
0x4e: {  	_ =	shalt  }
0x4f: {  	_ =	shalt  }
0x50: {  	_ =	shalt  }
0x51: {  	_ =	shalt  }
0x52: {  	_ =	shalt  }
0x53: {  	_ =	shalt  }
0x54: {  	_ =	shalt  }
0x55: {  	_ =	shalt  }
0x56: {  	_ =	shalt  }
0x57: {  	_ =	shalt  }
0x58: {  	_ =	shalt  }
0x59: {  	_ =	shalt  }
0x5a: {  	_ =	shalt  }
0x5b: {  	_ =	shalt  }
0x5c: {  	_ =	shalt  }
0x5d: {  	_ =	shalt  }
0x5e: {  	_ =	shalt  }
0x5f: {  	_ =	shalt  }
0x60: {  	_ =	shalt  }
0x61: {  	_ =	shalt  }
0x62: {  	_ =	shalt  }
0x63: {  	_ =	shalt  }
0x64: {  	_ =	shalt  }
0x65: {  	_ =	shalt  }
0x66: {  	_ =	shalt  }
0x67: {  	_ =	shalt  }
0x68: {  	_ =	shalt  }
0x69: {  	_ =	shalt  }
0x6a: {  	_ =	shalt  }
0x6b: {  	_ =	shalt  }
0x6c: {  	_ =	shalt  }
0x6d: {  	_ =	shalt  }
0x6e: {  	_ =	shalt  }
0x6f: {  	_ =	shalt  }
0x70: {  	_ =	shalt  }
0x71: {  	_ =	shalt  }
0x72: {  	_ =	shalt  }
0x73: {  	_ =	shalt  }
0x74: {  	_ =	shalt  }
0x75: {  	_ =	shalt  }
0x76: {  	_ =	shalt  }
0x77: {  	_ =	shalt  }
0x78: {  	_ =	shalt  }
0x79: {  	_ =	shalt  }
0x7a: {  	_ =	shalt  }
0x7b: {  	_ =	shalt  }
0x7c: {  	_ =	shalt  }
0x7d: {  	_ =	shalt  }
0x7e: {  	_ =	shalt  }
0x7f: {  	_ =	shalt  }
0x80: {  	_ =	shalt  }
0x81: {  	_ =	shalt  }
0x82: {  	_ =	shalt  }
0x83: {  	_ =	shalt  }
0x84: {  	_ =	shalt  }
0x85: {  	_ =	shalt  }
0x86: {  	_ =	shalt  }
0x87: {  	_ =	shalt  }
.Lfunc_end0:
.L_simem_size_0:
called_computation_lowered:
.L_overlay_start_0:
0x88: {  	s2 =	sld [smem:$0x3FD9]  }
0x89: {  	s3 =	sld [smem:$0x3FFE];
	_ =	sdelay $0x1  }
0x8a: {  	s1 =	srdreg.scid  }
0x8b: {  	s0 =	sand.u32 $0x1, s1  }
0x8c: {  	s17 =	sshll.u32 s0, $0xA;
	s2 =	sadd.s32 s3, s2  }
0x8d: {  	s2 =	sadd.s32 s2, s17  }
0x8e: {  	[smem:$0x3FC4] =	sst s2  }
0x8f: {  	_ = 	snop  }
0x90: {  	s2 =	sld [smem:$0x3FC9]  }
0x91: {  	s18 =	sld [smem:$0x3FD0];
	(tm) =	ssettm $0x1  }
0x92: {  	s4 =	sld [smem:$0x3FFB];
	_ =	sdelay $0x3  }
0x93: {  	_ =	strace s4  }
0x94: {  	s4 =	sld [smem:$0x3FFC];
	_ =	sdelay $0x3  }
0x95: {  	_ =	strace s4  }
0x96: {  	s4 =	sld [smem:$0x3FFD];
	_ =	sdelay $0x3  }
0x97: {  	_ =	strace s4  }
0x98: {  	_ =	strace $0x8FFFFFFF  }
0x99: {  	s19 =	sld [smem:$0x3FDB];
	_ =	sdelay $0x1  }
0x9a: {  	s5 =	simm.s32 $_scs_section_size  }
0x9b: {  	s6 =	simm.s32 $_size__tile_overlayer_lowered;
	s7 =	simm.s32 $_tile_overlayer_lowered  }
0x9c: {  	s22 =	simm.s32 $0x1BFF;
	s21 =	sshll.u32 s7, $0x1;
	s4 =	sadd.s32 s5, s19  }
0x9d: {  	s8 =	simm.s32 $0x0;
	s20 =	sshll.u32 s6, $0x1;
	s6 =	sadd.s32 s21, s4  }
0x9e: {  	[timem:s8], [sflag:s22] =	dma.local [hbm:s6], s20  }
0x9f: {  	_ =	swait.ge [sflag:s22], s20  }
0xa0: {  	s5 =	ssub.s32 $0x0, s20;
	[sflag:s22] =	ssyncset.done $0x0  }
0xa1: {  	[sflag:s22] =	ssyncadd.s32 s5;
	_ =	sdelay $0x1  }
0xa2: {  	s23 =	simm.s32 $0x1B8B  }
0xa3: {  	_ =	swait.ge [sflag:s23], $0x1  }
0xa4: {  	[sflag:s23] =	ssyncset.done $0x0  }
0xa5: {  	s25 =	simm.s32 $0x1B8E;
	s24 =	sld [smem:$0x3FFE];
	[sflag:s23] =	ssyncadd.s32 $0xFFFFFFFF  }
0xa6: {  	s26 =	simm.s32 $execute0_lowered;
	[smem:$0x3FD2] =	sst s25  }
0xa7: {  	s6 =	sshll.u32 s26, $0x1;
	_ =	strace $0x80000046;
	[dreg:$0x1] =	wrdreg $0xFFFFFFFF  }
0xa8: {  	s28 =	simm.s32 $_size_execute0_lowered;
	s4 =	sadd.s32 s4, s6;
	[dreg:$0x0] =	wrdreg $0x0  }
0xa9: {  	s6 =	sshll.u32 s28, $0x1;
	[dreg:$0x2] =	wrdreg s4  }
0xaa: {  	[dreg:$0x3] =	wrdreg s6  }
0xab: {  	[dreg:$0x4] =	wrdreg $0xC0  }
0xac: {  	_ =	task [dreg:s8], $0x5FFFF  }
0xad: {  	[dreg:$0x1] =	wrdreg $0xFFFFFFFF  }
0xae: {  	[dreg:$0x0] =	wrdreg $0x60  }
0xaf: {  	[dreg:$0x2] =	wrdreg s2  }
0xb0: {  	[dreg:$0x3] =	wrdreg s24  }
0xb1: {  	[dreg:$0x4] =	wrdreg s18  }
0xb2: {  	[dreg:$0x5] =	wrdreg $0x9F000  }
0xb3: {  	[dreg:$0x6] =	wrdreg $0x9  }
0xb4: {  	_ =	task.clear_ibuf [dreg:s8], $0x7FFFF;
	_ =	strace $0x90000046  }
0xb5: {  	s29 =	simm.s32 $0x9;
	_ =	strace $0x80000048  }
0xb6: {  	_ =	swait.ge [sflag:s29], $0x1  }
0xb7: {  	[sflag:s29] =	ssyncadd.s32 $0xFFFFFFFF  }
0xb8: {  	_ =	strace $0x90000048  }
0xb9: {  	_ =	sfence  }
0xba: {  	s30 =	sld [smem:$0x0];
	_ =	sdelay $0x2  }
0xbb: {  	s31 =	sshll.u32 s1, $0xD;
	s1 =	sshrl.u32 s1, $0x2  }
0xbc: {  	s3 =	sand.u32 $0x4000, s31;
	s1 =	sadd.s32 s1, s30  }
0xbd: {  	s0 =	sor.u32 s3, s0;
	s1 =	sshll.u32 s1, $0x11  }
0xbe: {  	s0 =	sor.u32 s1, s0  }
0xbf: {  	s0 =	sadd.s32 $0x8F2B, s0  }
0xc0: {  	[sflag:s0] =	ssyncadd.remote.s32 $0x1  }
0xc1: {  	_ =	sfence.sel $0xFFFF  }
0xc2: {  	[dreg:$0x0] =	wrdreg $0xFFFFFFFF;
	(pc) =	sbr.abs _section_cstart, $3  }
0xc3: {  	[dreg:$0x1] =	wrdreg $0xFFFFFFFF  }
0xc4: {  	_ =	task.clear_ibuf [dreg:s8], $0x2FFFF;
	_ =	strace $0x9FFFFFFF  }
0xc5: {  	(tm) =	ssettm $0x7FFFFFFF  }
tec
execute0_lowered:
.L_overlay_start_1:
0x0: {  	(tag) =	ssettag $0x1  }
0x1: {  	s0 =	rddreg [dreg:$0x0]  }
0x2: {  	s6 =	rddreg [dreg:$0x1]  }
0x3: {  	s13 =	rddreg [dreg:$0x2];
	s1 =	srdreg.scid  }
0x4: {  	s3 =	rddreg [dreg:$0x3];
	s2 =	stileid.u32  }
0x5: {  	s4 =	simm.s32 $0x0;
	s19 =	simm.s32 $0x5F00;
	s7 =	smul.u32 $0x13C00, s2  }
0x6: {  	s14 =	sand.u32 $0x1, s1;
	s1 =	rddreg [dreg:$0x4];
	s8 =	smul.u32 $0x3D, s2  }
0x7: {  	s20 =	simm.s32 $0x0;
	[smem:$0x7FF] =	sst s4;
	s10 =	smul.u32 $0x4F000, s2  }
0x8: {  	s12 =	sadd.s32 $0xA00, s6;
	s11 =	smin.u32 s2, $0x4;
	s18 =	smul.u32 $0x5F0, s2  }
0x9: {  	s29 =	sshll.u32 s2, $0x6;
	p1 =	slt.u32 s2, $0x4;
	s5 =	smul.u32 $0x13C000, s14  }
0xa: {  	_ =	strace $0x80000047;
	s9 =	ssub.s32 $0x2, s14;
	p0 =	seq.s32 s14, $0x0  }
0xb: {  	s24 =	sshrl.u32 s9, $0x1;
	s25 =	sadd.s32 s11, s8;
	s26 =	sshrl.u32 s10, $0x2  }
0xc: {  	s10 =	simm.s32 $0x3E;
	s7 =	sadd.s32 s7, s5;
	s5 =	sadd.s32 $0xA800, s6  }
0xd: {  	s16 =	ssub.s32 s9, s24;
	s28 =	sshll.u32 s25, $0x4;
	s17 =	sadd.s32 s26, s3  }
0xe: {  	s10 =	simm.s32 @!p1 $0x3D;
	s7 =	sshrl.u32 s7, $0x3;
	s30 =	sadd.s32 $0x5F00, s28  }
0xf: {  	s31 =	sadd.s32 $0x62D0, s28;
	s10 =	simm.s32 @p0 $0x5F;
	p0 =	sne.s32 s14, $0x0  }
0x10: {  	s15 =	sadd.s32 s7, s6;
	s6 =	sor.u32 $0x1C01, s29;
	s7 =	sadd.s32 s12, s30  }
0x11: {  	s8 =	sadd.s32 s13, s30;
	s9 =	sadd.s32 s12, s31;
	s11 =	sadd.s32 s13, s31  }
0x12: {  	s12 =	sadd.s32 s12, s18;
	s13 =	sadd.s32 s13, s18;
	p1 =	sgt.u32 @p0 s2, $0x3  }
0x13: {  	s18 =	simm.s32 $0x80;
	s14 =	sadd.s32 $0xD000, s15;
	s15 =	smax.u32 s16, $0x1  }
0x14: {  	s16 =	sshrl.u32 s17, $0x3;
	s17 =	simm.s32 $0x1;
	p1 =	por p1, !p0  }
.LBB2_1:
0x15: {  	[spmem:s16], [sflag:s6] =	dma.local [hbm:s5], $0x2780  }
0x16: {  	_ =	swait.ge [sflag:s17], $0x2780  }
0x17: {  	[sflag:s17] =	ssyncset.done $0x0  }
0x18: {  	s21 =	simm.s32 @p0 $0x0;
	s22 =	simm.s32 @p0 $0x1;
	[sflag:s17] =	ssyncadd.s32 $0xFFFFD880  }
0x19: {  	[tilespmem:s21], [sflag:$0x1] =	stream.linear.gather @p0 [hbm4b:s7+s21], $0x1E80, $0x38;
	[tilespmem:$0x1DB00] =	vst v63  }
0x1a: {  	_ =	swait.ge @p0 [sflag:s22], $0x1E80  }
0x1b: {  	[sflag:s22] =	ssyncset.done @p0 $0x0  }
0x1c: {  	s23 =	simm.s32 @p0 $0x2F80;
	[sflag:s22] =	ssyncadd.s32 @p0 $0xFFFFE180  }
0x1d: {  	[tilespmem:s23], [sflag:$0x1] =	stream.linear.gather @p0 [hbm4b:s8+s21], $0x1E80, $0x38;
	[tilespmem:$0x1DB00] =	vst v63  }
0x1e: {  	_ =	swait.ge @p0 [sflag:s22], $0x1E80  }
0x1f: {  	[sflag:s22] =	ssyncset.done @p0 $0x0  }
0x20: {  	s21 =	simm.s32 @!p1 $0x0;
	[sflag:s22] =	ssyncadd.s32 @p0 $0xFFFFE180;
	s22 =	simm.s32 @!p1 $0x1E80  }
0x21: {  	[tilespmem:s22], [sflag:$0x1] =	stream.linear.gather @!p1 [hbm4b:s9+s21], $0x80, $0x38;
	[tilespmem:$0x1DB00] =	vst v63  }
0x22: {  	s22 =	simm.s32 @!p1 $0x1  }
0x23: {  	_ =	swait.ge @!p1 [sflag:s22], $0x80  }
0x24: {  	[sflag:s22] =	ssyncset.done @!p1 $0x0  }
0x25: {  	s23 =	simm.s32 @!p1 $0x4E00;
	[sflag:s22] =	ssyncadd.s32 @!p1 $0xFFFFFF80  }
0x26: {  	[tilespmem:s23], [sflag:$0x1] =	stream.linear.gather @!p1 [hbm4b:s11+s21], $0x80, $0x38;
	[tilespmem:$0x1DB00] =	vst v63  }
0x27: {  	_ =	swait.ge @!p1 [sflag:s22], $0x80  }
0x28: {  	[sflag:s22] =	ssyncset.done @!p1 $0x0  }
0x29: {  	s21 =	simm.s32 @!p0 $0x0;
	[sflag:s22] =	ssyncadd.s32 @!p1 $0xFFFFFF80;
	s22 =	simm.s32 @!p0 $0x1  }
0x2a: {  	[tilespmem:s21], [sflag:$0x1] =	stream.linear.gather @!p0 [hbm4b:s12+s21], $0x2F80, $0x38;
	[tilespmem:$0x1DB00] =	vst v63  }
0x2b: {  	_ =	swait.ge @!p0 [sflag:s22], $0x2F80  }
0x2c: {  	[sflag:s22] =	ssyncset.done @!p0 $0x0  }
0x2d: {  	s23 =	simm.s32 @!p0 $0x2F80;
	[sflag:s22] =	ssyncadd.s32 @!p0 $0xFFFFD080  }
0x2e: {  	[tilespmem:s23], [sflag:$0x1] =	stream.linear.gather @!p0 [hbm4b:s13+s21], $0x2F80, $0x38;
	[tilespmem:$0x1DB00] =	vst v63  }
0x2f: {  	_ =	swait.ge @!p0 [sflag:s22], $0x2F80  }
0x30: {  	[sflag:s22] =	ssyncset.done @!p0 $0x0  }
0x31: {  	[sflag:s22] =	ssyncadd.s32 @!p0 $0xFFFFD080  }
0x32: {  	[bflag:$0x0] =	sbarrier.arrive $0xFFFF  }
0x33: {  	[tilespmem:s19], [sflag:$0x1] =	stream.indirect.gather [hbm4b:s0+s18], $0x80, s4, s18, $0xb8;
	[tilespmem:$0x1DB00] =	vst v63  }
0x34: {  	p2 =	sne.s32 s10, $0x1;
	_ =	swait.ge [sflag:s17], $0x4000  }
.Ltmp0:
0x35: {  	[sflag:s17] =	ssyncset.done $0x0;
	(pc) =	sbr.rel @!p2 .LBB2_3-.Ltmp0, $4  }
0x36: {  	s21 =	simm.s32 $0x2F80;
	[sflag:s17] =	ssyncadd.s32 $0xFFFFC000  }
0x37: {  	[spmem:s3] =	stream.indirect.scatter.add.f32 [tilespmem:s19], [sflag:$0x1], $0x80, s21, s18, $0xb8;
	[tilespmem:$0x1DB00] =	vst v63  }
0x38: {  	_ =	swait.ge [sflag:s17], $0x4000  }
0x39: {  	s23 =	simm.s32 $0x0;
	s22 =	sadd.s32 $0xFFFFFFFF, s10;
	[sflag:s17] =	ssyncset.done $0x0  }
.LBB2_2:
0x3a: {  	[sflag:s17] =	ssyncadd.s32 $0xFFFFC000;
	s23 =	sadd.s32 $0x80, s23;
	s21 =	sadd.s32 $0x80, s21  }
0x3b: {  	[tilespmem:s19], [sflag:$0x1] =	stream.indirect.gather [hbm4b:s0+s18], $0x80, s23, s18, $0xb8;
	[tilespmem:$0x1DB00] =	vst v63  }
0x3c: {  	p2 =	sne.s32 s22, $0x1;
	s22 =	sadd.s32 $0xFFFFFFFF, s22;
	_ =	swait.ge [sflag:s17], $0x4000  }
.Ltmp1:
0x3d: {  	[sflag:s17] =	ssyncset.done $0x0;
	(pc) =	sbr.rel @p2 .LBB2_2-.Ltmp1, $4  }
0x3e: {  	[sflag:s17] =	ssyncadd.s32 $0xFFFFC000  }
0x3f: {  	[spmem:s3] =	stream.indirect.scatter.add.f32 [tilespmem:s19], [sflag:$0x1], $0x80, s21, s18, $0xb8;
	[tilespmem:$0x1DB00] =	vst v63  }
0x40: {  	_ =	swait.ge [sflag:s17], $0x4000  }
0x41: {  	[sflag:s17] =	ssyncset.done $0x0  }
.LBB2_3:
0x42: {  	s20 =	sadd.s32 $0x1, s20  }
0x43: {  	[sflag:s17] =	ssyncadd.s32 $0xFFFFC000;
	p2 =	sne.s32 s20, s15  }
.Ltmp2:
0x44: {  	[bflag:$0x0] =	sbarrier.arrive $0xFFFF;
	(pc) =	sbr.rel @p2 .LBB2_1-.Ltmp2, $4  }
0x45: {  	[hbm:s14], [sflag:s6] =	dma.local [spmem:s16], $0x2780  }
0x46: {  	_ =	swait.ge [sflag:s17], $0x2780  }
0x47: {  	[sflag:s17] =	ssyncset.done $0x0  }
0x48: {  	[sflag:s17] =	ssyncadd.s32 $0xFFFFD880  }
0x49: {  	_ =	sfence.sel $0x180000  }
0x4a: {  	[bflag:$0x0] =	sbarrier.arrive $0xFFFF  }
0x4b: {  	p0 =	sne.s32 s2, $0x0;
	_ =	strace $0x90000047  }
0x4c: {  	s0 =	sadd.s32 @!p0 $0x100000, s1;
	[bflag:$0x2] =	sbarrier.arrive $0xFFFF  }
0x4d: {  	[sflag:s0] =	ssyncadd.tile.s32 @!p0 $0x1;
	_ =	shalt  }
.Lfunc_end2:
_tile_overlayer_lowered:
.L_overlay_start_2:
0x4e: {  	(tag) =	ssettag $0x2  }
0x4f: {  	s0 =	rddreg [dreg:$0x0];
	s2 =	stileid.u32  }
0x50: {  	s1 =	rddreg [dreg:$0x1];
	p0 =	sne.s32 s2, $0x0  }
0x51: {  	s3 =	rddreg [dreg:$0x2];
	[bflag:$0x3] =	sbarrier.arrive $0xFFFF;
	s2 =	simm.s32 @!p0 $0x1C01  }
0x52: {  	[timem:s3], [sflag:s2] =	dma.local @!p0 [hbm:s0], s1  }
0x53: {  	s0 =	simm.s32 @!p0 $0x1  }
0x54: {  	_ =	swait.ge @!p0 [sflag:s0], s1  }
0x55: {  	s1 =	ssub.s32 @!p0 $0x0, s1;
	[sflag:s0] =	ssyncset.done @!p0 $0x0  }
0x56: {  	[sflag:s0] =	ssyncadd.s32 @!p0 s1  }
0x57: {  	[bflag:$0x3] =	sbarrier.arrive $0xFFFF  }
0x58: {  	_ =	shalt  }

</sc_bundles>
